<compile_context>
chip_gen: v7x
topology: tpu7x:2x2x1
jax: 0.10.2.dev20260603
libtpu: 0.0.44.dev20260713+nightly
codegen_flags: <defaults>
</compile_context>

<pallas_src>
import jax
import jax.numpy as jnp
from jax import lax
from jax.experimental import pallas as pl
from jax.experimental.pallas import tpu as pltpu
from jax.experimental.pallas import tpu_sc as plsc


def _gather_body(t5, idx5, out5, plane_v, idx_v, out_v, sem_i, sem_p, sem_o):
    c = lax.axis_index("c")
    s = lax.axis_index("s")
    wid = s * 2 + c
    heavy = wid < 16
    b = lax.select(heavy, wid, wid - 16)
    bt = b // 8
    rb = b % 8
    p1 = lax.select(heavy, 0, 1)

    pltpu.async_copy(idx5.at[bt, :, rb, :], idx_v, sem_i)
    pltpu.async_copy(t5.at[p1, bt, :, rb, :], plane_v, sem_p)
    pltpu.make_async_copy(idx5.at[bt, :, rb, :], idx_v, sem_i).wait()
    pltpu.make_async_copy(t5.at[p1, bt, :, rb, :], plane_v, sem_p).wait()

    def gather():
        @plsc.parallel_loop(0, 1024, step=1, unroll=16)
        def _(k):
            r = lax.shift_right_logical(k, 3)
            o = lax.bitwise_and(k, 7) * 16
            n = idx_v[r, pl.ds(o, 16)]
            hi = lax.shift_right_logical(n, 7)
            lo = lax.bitwise_and(n, 127)
            out_v[r, pl.ds(o, 16)] = plsc.load_gather(plane_v, [hi, lo])

    gather()

    @pl.when(heavy)
    def _():
        pltpu.async_copy(out_v, out5.at[0, bt, :, rb, :], sem_o)
        pltpu.async_copy(t5.at[2, bt, :, rb, :], plane_v, sem_p)
        pltpu.make_async_copy(out_v, out5.at[0, bt, :, rb, :], sem_o).wait()
        pltpu.make_async_copy(t5.at[2, bt, :, rb, :], plane_v, sem_p).wait()
        gather()
        pltpu.sync_copy(out_v, out5.at[2, bt, :, rb, :])

    @pl.when(jnp.logical_not(heavy))
    def _():
        pltpu.sync_copy(out_v, out5.at[1, bt, :, rb, :])


def kernel(t_in, t_idx):
    t5 = t_in.transpose(2, 0, 1).reshape(3, 2, 8, 512, 128).transpose(0, 1, 3, 2, 4)
    idx5 = t_idx.astype(jnp.int32).reshape(2, 8, 128, 128).transpose(0, 2, 1, 3)
    mesh = plsc.VectorSubcoreMesh(core_axis_name="c", subcore_axis_name="s")
    k = pl.kernel(
        _gather_body,
        out_type=jax.ShapeDtypeStruct((3, 2, 128, 8, 128), jnp.float32),
        mesh=mesh,
        scratch_types=[
            pltpu.VMEM((512, 128), jnp.float32),
            pltpu.VMEM((128, 128), jnp.int32),
            pltpu.VMEM((128, 128), jnp.float32),
            pltpu.SemaphoreType.DMA,
            pltpu.SemaphoreType.DMA,
            pltpu.SemaphoreType.DMA,
        ],
        compiler_params=pltpu.CompilerParams(
            use_tc_tiling_on_sc=False, needs_layout_passes=False
        ),
    )
    out5 = k(t5, idx5)
    return out5.transpose(1, 3, 2, 4, 0).reshape(16, 16384, 3)

# --- scband reference (transcript-rebuilt; emitter-appended) ---
"""Pipeline reference for scband-gather-module-16561393893901 (READ-ONLY COPY).

The authoritative reference and input builder live on the scoring server;
editing this copy changes nothing except your own understanding.
"""

import jax, jax.numpy as jnp
import numpy as np

def setup_inputs(seed: int = 0) -> dict:
    key = jax.random.key(seed)
    k1, k2 = jax.random.split(key)
    t_in = jax.random.normal(k1, (16, 65536, 3), dtype=jnp.float32)
    t_idx = jax.random.randint(k2, (16, 16384), 0, 65536, dtype=jnp.int64)
    return {"t_in": t_in, "t_idx": t_idx}

def reference(t_in, t_idx):
    # gather_points: out[b, i, :] = t_in[b, t_idx[b, i], :]
    b, n, p = t_in.shape
    if p != 3:
        raise Exception('GatherPoint expects (batch_size, num_points, 3) inp shape')
    out = jnp.take_along_axis(t_in, t_idx[:, :, None], axis=1)
    return out

if __name__ == "__main__":
    import jax
    _d = setup_inputs()
    print(jax.jit(kernel)(*tuple(_d.values())))

</pallas_src>

<mosaic_0001>
#map = affine_map<(d0, d1) -> (0, 0, 0, 0, 0)>
#map1 = affine_map<(d0, d1) -> (0, 0, 0, 0)>
module attributes {stable_mosaic.version = 14 : i64} {
  func.func @_gather_body(%arg0: i32, %arg1: i32, %arg2: memref<3x2x512x8x128xf32, #tpu.memory_space<hbm>>, %arg3: memref<2x128x8x128xi32, #tpu.memory_space<hbm>>, %arg4: memref<3x2x128x8x128xf32, #tpu.memory_space<hbm>>, %arg5: memref<512x128xf32, #tpu.memory_space<vmem>>, %arg6: memref<128x128xi32, #tpu.memory_space<vmem>>, %arg7: memref<128x128xf32, #tpu.memory_space<vmem>>, %arg8: memref<!tpu.dma_semaphore, #tpu.memory_space<semaphore_mem>>, %arg9: memref<!tpu.dma_semaphore, #tpu.memory_space<semaphore_mem>>, %arg10: memref<!tpu.dma_semaphore, #tpu.memory_space<semaphore_mem>>) attributes {dimension_semantics = [#tpu.dimension_semantics<core_parallel>, #tpu.dimension_semantics<subcore_parallel>], iteration_bounds = array<i64: 2, 16>, scalar_prefetch = 0 : i64, scratch_operands = 6 : i64, tpu.core_type = #tpu.core_type<sc_vector_subcore>, window_params = [{transform_indices = #map}, {transform_indices = #map1}, {transform_indices = #map}]} {
    %mul3A = arith.constant 2 : i32
    %mul3A_0 = arith.muli %arg1, %mul3A : i32
    %add3A = arith.addi %mul3A_0, %arg0 : i32
    %lt3A = arith.constant 16 : i32
    %lt3A_1 = arith.cmpi slt, %add3A, %lt3A : i32
    %sub3A = arith.constant 16 : i32
    %sub3A_2 = arith.subi %add3A, %sub3A : i32
    %select_n3A = arith.select %lt3A_1, %add3A, %sub3A_2 : i32
    %jit3A = arith.constant 8 : i32
    %div3A = arith.divsi %select_n3A, %jit3A : i32
    %sign3A = arith.constant 0 : i32
    %sign3A_3 = arith.cmpi sgt, %select_n3A, %sign3A : i32
    %sign3A_4 = arith.extui %sign3A_3 : i1 to i32
    %sign3A_5 = arith.constant 0 : i32
    %sign3A_6 = arith.cmpi slt, %select_n3A, %sign3A_5 : i32
    %sign3A_7 = arith.extui %sign3A_6 : i1 to i32
    %sign3A_8 = arith.subi %sign3A_4, %sign3A_7 : i32
    %sign3A_9 = arith.constant 0 : i32
    %sign3A_10 = arith.cmpi sgt, %jit3A, %sign3A_9 : i32
    %sign3A_11 = arith.extui %sign3A_10 : i1 to i32
    %sign3A_12 = arith.constant 0 : i32
    %sign3A_13 = arith.cmpi slt, %jit3A, %sign3A_12 : i32
    %sign3A_14 = arith.extui %sign3A_13 : i1 to i32
    %sign3A_15 = arith.subi %sign3A_11, %sign3A_14 : i32
    %ne3A = arith.cmpi ne, %sign3A_8, %sign3A_15 : i32
    %rem3A = arith.remsi %select_n3A, %jit3A : i32
    %ne3A_16 = arith.constant 0 : i32
    %ne3A_17 = arith.cmpi ne, %rem3A, %ne3A_16 : i32
    %and3A = arith.andi %ne3A, %ne3A_17 : i1
    %sub3A_18 = arith.constant 1 : i32
    %sub3A_19 = arith.subi %div3A, %sub3A_18 : i32
    %select_n3A_20 = arith.select %and3A, %sub3A_19, %div3A : i32
    %jit3A_21 = arith.constant 8 : i32
    %eq3A = arith.constant 0 : i32
    %eq3A_22 = arith.cmpi eq, %jit3A_21, %eq3A : i32
    %jit3A_23 = arith.constant 1 : i32
    %select_n3A_24 = arith.select %eq3A_22, %jit3A_23, %jit3A_21 : i32
    %rem3A_25 = arith.remsi %select_n3A, %select_n3A_24 : i32
    %ne3A_26 = arith.constant 0 : i32
    %ne3A_27 = arith.cmpi ne, %rem3A_25, %ne3A_26 : i32
    %lt3A_28 = arith.constant 0 : i32
    %lt3A_29 = arith.cmpi slt, %rem3A_25, %lt3A_28 : i32
    %lt3A_30 = arith.constant 0 : i32
    %lt3A_31 = arith.cmpi slt, %select_n3A_24, %lt3A_30 : i32
    %ne3A_32 = arith.xori %lt3A_29, %lt3A_31 : i1
    %and3A_33 = arith.andi %ne3A_32, %ne3A_27 : i1
    %add3A_34 = arith.addi %rem3A_25, %select_n3A_24 : i32
    %select_n3A_35 = arith.select %and3A_33, %add3A_34, %rem3A_25 : i32
    %select_n3A_36 = arith.constant 1 : i32
    %select_n3A_37 = arith.constant 0 : i32
    %select_n3A_38 = arith.select %lt3A_1, %select_n3A_37, %select_n3A_36 : i32
    %dma_start3A = arith.constant 0 : i32
    %dma_start3A_39 = arith.constant 0 : i32
    %dma_start3A_40 = tpu.memref_slice %arg3[%select_n3A_20, %dma_start3A, %select_n3A_35, %dma_start3A_39] : memref<2x128x8x128xi32, #tpu.memory_space<hbm>> -> memref<1x128x1x128xi32, #tpu.memory_space<hbm>>
    %dma_start3A_41 = tpu.memref_squeeze %dma_start3A_40 : memref<1x128x1x128xi32, #tpu.memory_space<hbm>> -> memref<128x128xi32, #tpu.memory_space<hbm>>
    %dma_start3A_42 = arith.constant 0 : i32
    %dma_start3A_43 = arith.constant 0 : i32
    %dma_start3A_44 = tpu.memref_slice %arg3[%select_n3A_20, %dma_start3A_42, %select_n3A_35, %dma_start3A_43] : memref<2x128x8x128xi32, #tpu.memory_space<hbm>> -> memref<1x128x1x128xi32, #tpu.memory_space<hbm>>
    %dma_start3A_45 = tpu.memref_squeeze %dma_start3A_44 : memref<1x128x1x128xi32, #tpu.memory_space<hbm>> -> memref<128x128xi32, #tpu.memory_space<hbm>>
    tpu.enqueue_dma source(%dma_start3A_45 : memref<128x128xi32, #tpu.memory_space<hbm>>) target(%arg6 : memref<128x128xi32, #tpu.memory_space<vmem>>) target_semaphore(%arg8 : memref<!tpu.dma_semaphore, #tpu.memory_space<semaphore_mem>>)
    %dma_start3A_46 = arith.constant 0 : i32
    %dma_start3A_47 = arith.constant 0 : i32
    %dma_start3A_48 = tpu.memref_slice %arg2[%select_n3A_38, %select_n3A_20, %dma_start3A_46, %select_n3A_35, %dma_start3A_47] : memref<3x2x512x8x128xf32, #tpu.memory_space<hbm>> -> memref<1x1x512x1x128xf32, #tpu.memory_space<hbm>>
    %dma_start3A_49 = tpu.memref_squeeze %dma_start3A_48 : memref<1x1x512x1x128xf32, #tpu.memory_space<hbm>> -> memref<512x128xf32, #tpu.memory_space<hbm>>
    %dma_start3A_50 = arith.constant 0 : i32
    %dma_start3A_51 = arith.constant 0 : i32
    %dma_start3A_52 = tpu.memref_slice %arg2[%select_n3A_38, %select_n3A_20, %dma_start3A_50, %select_n3A_35, %dma_start3A_51] : memref<3x2x512x8x128xf32, #tpu.memory_space<hbm>> -> memref<1x1x512x1x128xf32, #tpu.memory_space<hbm>>
    %dma_start3A_53 = tpu.memref_squeeze %dma_start3A_52 : memref<1x1x512x1x128xf32, #tpu.memory_space<hbm>> -> memref<512x128xf32, #tpu.memory_space<hbm>>
    tpu.enqueue_dma source(%dma_start3A_53 : memref<512x128xf32, #tpu.memory_space<hbm>>) target(%arg5 : memref<512x128xf32, #tpu.memory_space<vmem>>) target_semaphore(%arg9 : memref<!tpu.dma_semaphore, #tpu.memory_space<semaphore_mem>>)
    %dma_wait3A = arith.constant 0 : i32
    %dma_wait3A_54 = arith.constant 0 : i32
    %dma_wait3A_55 = tpu.memref_slice %arg3[%select_n3A_20, %dma_wait3A, %select_n3A_35, %dma_wait3A_54] : memref<2x128x8x128xi32, #tpu.memory_space<hbm>> -> memref<1x128x1x128xi32, #tpu.memory_space<hbm>>
    %dma_wait3A_56 = tpu.memref_squeeze %dma_wait3A_55 : memref<1x128x1x128xi32, #tpu.memory_space<hbm>> -> memref<128x128xi32, #tpu.memory_space<hbm>>
    %dma_wait3A_57 = arith.constant 0 : i32
    %dma_wait3A_58 = arith.constant 0 : i32
    %dma_wait3A_59 = tpu.memref_slice %arg3[%select_n3A_20, %dma_wait3A_57, %select_n3A_35, %dma_wait3A_58] : memref<2x128x8x128xi32, #tpu.memory_space<hbm>> -> memref<1x128x1x128xi32, #tpu.memory_space<hbm>>
    %dma_wait3A_60 = tpu.memref_squeeze %dma_wait3A_59 : memref<1x128x1x128xi32, #tpu.memory_space<hbm>> -> memref<128x128xi32, #tpu.memory_space<hbm>>
    tpu.wait_dma2 semaphore(%arg8 : memref<!tpu.dma_semaphore, #tpu.memory_space<semaphore_mem>>) src(%dma_wait3A_60 : memref<128x128xi32, #tpu.memory_space<hbm>>) dst(%arg6 : memref<128x128xi32, #tpu.memory_space<vmem>>)
    %dma_wait3A_61 = arith.constant 0 : i32
    %dma_wait3A_62 = arith.constant 0 : i32
    %dma_wait3A_63 = tpu.memref_slice %arg2[%select_n3A_38, %select_n3A_20, %dma_wait3A_61, %select_n3A_35, %dma_wait3A_62] : memref<3x2x512x8x128xf32, #tpu.memory_space<hbm>> -> memref<1x1x512x1x128xf32, #tpu.memory_space<hbm>>
    %dma_wait3A_64 = tpu.memref_squeeze %dma_wait3A_63 : memref<1x1x512x1x128xf32, #tpu.memory_space<hbm>> -> memref<512x128xf32, #tpu.memory_space<hbm>>
    %dma_wait3A_65 = arith.constant 0 : i32
    %dma_wait3A_66 = arith.constant 0 : i32
    %dma_wait3A_67 = tpu.memref_slice %arg2[%select_n3A_38, %select_n3A_20, %dma_wait3A_65, %select_n3A_35, %dma_wait3A_66] : memref<3x2x512x8x128xf32, #tpu.memory_space<hbm>> -> memref<1x1x512x1x128xf32, #tpu.memory_space<hbm>>
    %dma_wait3A_68 = tpu.memref_squeeze %dma_wait3A_67 : memref<1x1x512x1x128xf32, #tpu.memory_space<hbm>> -> memref<512x128xf32, #tpu.memory_space<hbm>>
    tpu.wait_dma2 semaphore(%arg9 : memref<!tpu.dma_semaphore, #tpu.memory_space<semaphore_mem>>) src(%dma_wait3A_68 : memref<512x128xf32, #tpu.memory_space<hbm>>) dst(%arg5 : memref<512x128xf32, #tpu.memory_space<vmem>>)
    %parallel_loop3A = arith.constant 0 : i32
    %parallel_loop3A_69 = arith.constant 1024 : i32
    %parallel_loop3A_70 = arith.constant 1 : i32
    scf.for %parallel_loop3A_76 = %parallel_loop3A to %parallel_loop3A_69 step %parallel_loop3A_70  : i32 {
      %parallel_loop3A_77 = arith.constant 3 : i32
      %parallel_loop3A_78 = arith.shrui %parallel_loop3A_76, %parallel_loop3A_77 : i32
      %parallel_loop3A_79 = arith.constant 7 : i32
      %parallel_loop3A_80 = arith.andi %parallel_loop3A_76, %parallel_loop3A_79 : i32
      %parallel_loop3A_81 = arith.constant 16 : i32
      %parallel_loop3A_82 = arith.muli %parallel_loop3A_80, %parallel_loop3A_81 : i32
      %parallel_loop3A_83 = arith.index_cast %parallel_loop3A_78 : i32 to index
      %parallel_loop3A_84 = arith.index_cast %parallel_loop3A_82 : i32 to index
      %parallel_loop3A_85 = tpu.vector_load %arg6[%parallel_loop3A_83, %parallel_loop3A_84] {strides = array<i32>} : memref<128x128xi32, #tpu.memory_space<vmem>>, vector<16xi32>,
      %parallel_loop3A_86 = arith.constant 7 : i32
      %parallel_loop3A_87 = vector.broadcast %parallel_loop3A_86 : i32 to vector<16xi32>
      %parallel_loop3A_88 = arith.shrui %parallel_loop3A_85, %parallel_loop3A_87 : vector<16xi32>
      %parallel_loop3A_89 = arith.constant 127 : i32
      %parallel_loop3A_90 = vector.broadcast %parallel_loop3A_89 : i32 to vector<16xi32>
      %parallel_loop3A_91 = arith.andi %parallel_loop3A_85, %parallel_loop3A_90 : vector<16xi32>
      %parallel_loop3A_92 = tpu.vector_load_idx %arg5[%parallel_loop3A_88, %parallel_loop3A_91] : memref<512x128xf32, #tpu.memory_space<vmem>>[vector<16xi32>, vector<16xi32>], vector<16xf32>,
      %parallel_loop3A_93 = arith.index_cast %parallel_loop3A_78 : i32 to index
      %parallel_loop3A_94 = arith.index_cast %parallel_loop3A_82 : i32 to index
      %parallel_loop3A_95 = tpu.vector_load %arg7[%parallel_loop3A_93, %parallel_loop3A_94] {strides = array<i32>} : memref<128x128xf32, #tpu.memory_space<vmem>>, vector<16xf32>,
      tpu.vector_store %arg7[%parallel_loop3A_93, %parallel_loop3A_94], %parallel_loop3A_92 {strides = array<i32>} : memref<128x128xf32, #tpu.memory_space<vmem>>, vector<16xf32>,
    } {sc.loop_unroll_factor = 16 : i64, sc.parallel_access}
    %convert_element_type3A = arith.extui %lt3A_1 : i1 to i32
    %cond3A = arith.constant 0 : i32
    %cond3A_71 = arith.cmpi ne, %convert_element_type3A, %cond3A : i32
    scf.if %cond3A_71 {
      %dma_start3A_76 = arith.constant 0 : i32
      %dma_start3A_77 = arith.constant 0 : i32
      %dma_start3A_78 = arith.constant 0 : i32
      %dma_start3A_79 = tpu.memref_slice %arg4[%dma_start3A_76, %select_n3A_20, %dma_start3A_77, %select_n3A_35, %dma_start3A_78] : memref<3x2x128x8x128xf32, #tpu.memory_space<hbm>> -> memref<1x1x128x1x128xf32, #tpu.memory_space<hbm>>
      %dma_start3A_80 = tpu.memref_squeeze %dma_start3A_79 : memref<1x1x128x1x128xf32, #tpu.memory_space<hbm>> -> memref<128x128xf32, #tpu.memory_space<hbm>>
      %dma_start3A_81 = arith.constant 0 : i32
      %dma_start3A_82 = arith.constant 0 : i32
      %dma_start3A_83 = tpu.memref_slice %arg4[%dma_start3A_76, %select_n3A_20, %dma_start3A_81, %select_n3A_35, %dma_start3A_82] : memref<3x2x128x8x128xf32, #tpu.memory_space<hbm>> -> memref<1x1x128x1x128xf32, #tpu.memory_space<hbm>>
      %dma_start3A_84 = tpu.memref_squeeze %dma_start3A_83 : memref<1x1x128x1x128xf32, #tpu.memory_space<hbm>> -> memref<128x128xf32, #tpu.memory_space<hbm>>
      tpu.enqueue_dma source(%arg7 : memref<128x128xf32, #tpu.memory_space<vmem>>) target(%dma_start3A_84 : memref<128x128xf32, #tpu.memory_space<hbm>>) target_semaphore(%arg10 : memref<!tpu.dma_semaphore, #tpu.memory_space<semaphore_mem>>)
      %dma_start3A_85 = arith.constant 2 : i32
      %dma_start3A_86 = arith.constant 0 : i32
      %dma_start3A_87 = arith.constant 0 : i32
      %dma_start3A_88 = tpu.memref_slice %arg2[%dma_start3A_85, %select_n3A_20, %dma_start3A_86, %select_n3A_35, %dma_start3A_87] : memref<3x2x512x8x128xf32, #tpu.memory_space<hbm>> -> memref<1x1x512x1x128xf32, #tpu.memory_space<hbm>>
      %dma_start3A_89 = tpu.memref_squeeze %dma_start3A_88 : memref<1x1x512x1x128xf32, #tpu.memory_space<hbm>> -> memref<512x128xf32, #tpu.memory_space<hbm>>
      %dma_start3A_90 = arith.constant 0 : i32
      %dma_start3A_91 = arith.constant 0 : i32
      %dma_start3A_92 = tpu.memref_slice %arg2[%dma_start3A_85, %select_n3A_20, %dma_start3A_90, %select_n3A_35, %dma_start3A_91] : memref<3x2x512x8x128xf32, #tpu.memory_space<hbm>> -> memref<1x1x512x1x128xf32, #tpu.memory_space<hbm>>
      %dma_start3A_93 = tpu.memref_squeeze %dma_start3A_92 : memref<1x1x512x1x128xf32, #tpu.memory_space<hbm>> -> memref<512x128xf32, #tpu.memory_space<hbm>>
      tpu.enqueue_dma source(%dma_start3A_93 : memref<512x128xf32, #tpu.memory_space<hbm>>) target(%arg5 : memref<512x128xf32, #tpu.memory_space<vmem>>) target_semaphore(%arg9 : memref<!tpu.dma_semaphore, #tpu.memory_space<semaphore_mem>>)
      %dma_wait3A_94 = arith.constant 0 : i32
      %dma_wait3A_95 = arith.constant 0 : i32
      %dma_wait3A_96 = arith.constant 0 : i32
      %dma_wait3A_97 = tpu.memref_slice %arg4[%dma_wait3A_94, %select_n3A_20, %dma_wait3A_95, %select_n3A_35, %dma_wait3A_96] : memref<3x2x128x8x128xf32, #tpu.memory_space<hbm>> -> memref<1x1x128x1x128xf32, #tpu.memory_space<hbm>>
      %dma_wait3A_98 = tpu.memref_squeeze %dma_wait3A_97 : memref<1x1x128x1x128xf32, #tpu.memory_space<hbm>> -> memref<128x128xf32, #tpu.memory_space<hbm>>
      %dma_wait3A_99 = arith.constant 0 : i32
      %dma_wait3A_100 = arith.constant 0 : i32
      %dma_wait3A_101 = tpu.memref_slice %arg4[%dma_wait3A_94, %select_n3A_20, %dma_wait3A_99, %select_n3A_35, %dma_wait3A_100] : memref<3x2x128x8x128xf32, #tpu.memory_space<hbm>> -> memref<1x1x128x1x128xf32, #tpu.memory_space<hbm>>
      %dma_wait3A_102 = tpu.memref_squeeze %dma_wait3A_101 : memref<1x1x128x1x128xf32, #tpu.memory_space<hbm>> -> memref<128x128xf32, #tpu.memory_space<hbm>>
      tpu.wait_dma2 semaphore(%arg10 : memref<!tpu.dma_semaphore, #tpu.memory_space<semaphore_mem>>) src(%arg7 : memref<128x128xf32, #tpu.memory_space<vmem>>) dst(%dma_wait3A_102 : memref<128x128xf32, #tpu.memory_space<hbm>>)
      %dma_wait3A_103 = arith.constant 2 : i32
      %dma_wait3A_104 = arith.constant 0 : i32
      %dma_wait3A_105 = arith.constant 0 : i32
      %dma_wait3A_106 = tpu.memref_slice %arg2[%dma_wait3A_103, %select_n3A_20, %dma_wait3A_104, %select_n3A_35, %dma_wait3A_105] : memref<3x2x512x8x128xf32, #tpu.memory_space<hbm>> -> memref<1x1x512x1x128xf32, #tpu.memory_space<hbm>>
      %dma_wait3A_107 = tpu.memref_squeeze %dma_wait3A_106 : memref<1x1x512x1x128xf32, #tpu.memory_space<hbm>> -> memref<512x128xf32, #tpu.memory_space<hbm>>
      %dma_wait3A_108 = arith.constant 0 : i32
      %dma_wait3A_109 = arith.constant 0 : i32
      %dma_wait3A_110 = tpu.memref_slice %arg2[%dma_wait3A_103, %select_n3A_20, %dma_wait3A_108, %select_n3A_35, %dma_wait3A_109] : memref<3x2x512x8x128xf32, #tpu.memory_space<hbm>> -> memref<1x1x512x1x128xf32, #tpu.memory_space<hbm>>
      %dma_wait3A_111 = tpu.memref_squeeze %dma_wait3A_110 : memref<1x1x512x1x128xf32, #tpu.memory_space<hbm>> -> memref<512x128xf32, #tpu.memory_space<hbm>>
      tpu.wait_dma2 semaphore(%arg9 : memref<!tpu.dma_semaphore, #tpu.memory_space<semaphore_mem>>) src(%dma_wait3A_111 : memref<512x128xf32, #tpu.memory_space<hbm>>) dst(%arg5 : memref<512x128xf32, #tpu.memory_space<vmem>>)
      %parallel_loop3A_112 = arith.constant 0 : i32
      %parallel_loop3A_113 = arith.constant 1024 : i32
      %parallel_loop3A_114 = arith.constant 1 : i32
      scf.for %parallel_loop3A_115 = %parallel_loop3A_112 to %parallel_loop3A_113 step %parallel_loop3A_114  : i32 {
        %parallel_loop3A_116 = arith.constant 3 : i32
        %parallel_loop3A_117 = arith.shrui %parallel_loop3A_115, %parallel_loop3A_116 : i32
        %parallel_loop3A_118 = arith.constant 7 : i32
        %parallel_loop3A_119 = arith.andi %parallel_loop3A_115, %parallel_loop3A_118 : i32
        %parallel_loop3A_120 = arith.constant 16 : i32
        %parallel_loop3A_121 = arith.muli %parallel_loop3A_119, %parallel_loop3A_120 : i32
        %parallel_loop3A_122 = arith.index_cast %parallel_loop3A_117 : i32 to index
        %parallel_loop3A_123 = arith.index_cast %parallel_loop3A_121 : i32 to index
        %parallel_loop3A_124 = tpu.vector_load %arg6[%parallel_loop3A_122, %parallel_loop3A_123] {strides = array<i32>} : memref<128x128xi32, #tpu.memory_space<vmem>>, vector<16xi32>,
        %parallel_loop3A_125 = arith.constant 7 : i32
        %parallel_loop3A_126 = vector.broadcast %parallel_loop3A_125 : i32 to vector<16xi32>
        %parallel_loop3A_127 = arith.shrui %parallel_loop3A_124, %parallel_loop3A_126 : vector<16xi32>
        %parallel_loop3A_128 = arith.constant 127 : i32
        %parallel_loop3A_129 = vector.broadcast %parallel_loop3A_128 : i32 to vector<16xi32>
        %parallel_loop3A_130 = arith.andi %parallel_loop3A_124, %parallel_loop3A_129 : vector<16xi32>
        %parallel_loop3A_131 = tpu.vector_load_idx %arg5[%parallel_loop3A_127, %parallel_loop3A_130] : memref<512x128xf32, #tpu.memory_space<vmem>>[vector<16xi32>, vector<16xi32>], vector<16xf32>,
        %parallel_loop3A_132 = arith.index_cast %parallel_loop3A_117 : i32 to index
        %parallel_loop3A_133 = arith.index_cast %parallel_loop3A_121 : i32 to index
        %parallel_loop3A_134 = tpu.vector_load %arg7[%parallel_loop3A_132, %parallel_loop3A_133] {strides = array<i32>} : memref<128x128xf32, #tpu.memory_space<vmem>>, vector<16xf32>,
        tpu.vector_store %arg7[%parallel_loop3A_132, %parallel_loop3A_133], %parallel_loop3A_131 {strides = array<i32>} : memref<128x128xf32, #tpu.memory_space<vmem>>, vector<16xf32>,
      } {sc.loop_unroll_factor = 16 : i64, sc.parallel_access}
      %run_scoped3A = arith.constant 2 : i32
      "tpu.region"() ({
        %run_scoped3A_115 = tpu.sem_alloc : memref<!tpu.dma_semaphore, #tpu.memory_space<semaphore_mem>>
        %dma_start3A_116 = arith.constant 0 : i32
        %dma_start3A_117 = arith.constant 0 : i32
        %dma_start3A_118 = tpu.memref_slice %arg4[%run_scoped3A, %select_n3A_20, %dma_start3A_116, %select_n3A_35, %dma_start3A_117] : memref<3x2x128x8x128xf32, #tpu.memory_space<hbm>> -> memref<1x1x128x1x128xf32, #tpu.memory_space<hbm>>
        %dma_start3A_119 = tpu.memref_squeeze %dma_start3A_118 : memref<1x1x128x1x128xf32, #tpu.memory_space<hbm>> -> memref<128x128xf32, #tpu.memory_space<hbm>>
        %dma_start3A_120 = arith.constant 0 : i32
        %dma_start3A_121 = arith.constant 0 : i32
        %dma_start3A_122 = tpu.memref_slice %arg4[%run_scoped3A, %select_n3A_20, %dma_start3A_120, %select_n3A_35, %dma_start3A_121] : memref<3x2x128x8x128xf32, #tpu.memory_space<hbm>> -> memref<1x1x128x1x128xf32, #tpu.memory_space<hbm>>
        %dma_start3A_123 = tpu.memref_squeeze %dma_start3A_122 : memref<1x1x128x1x128xf32, #tpu.memory_space<hbm>> -> memref<128x128xf32, #tpu.memory_space<hbm>>
        tpu.enqueue_dma source(%arg7 : memref<128x128xf32, #tpu.memory_space<vmem>>) target(%dma_start3A_123 : memref<128x128xf32, #tpu.memory_space<hbm>>) target_semaphore(%run_scoped3A_115 : memref<!tpu.dma_semaphore, #tpu.memory_space<semaphore_mem>>)
        %dma_wait3A_124 = arith.constant 0 : i32
        %dma_wait3A_125 = arith.constant 0 : i32
        %dma_wait3A_126 = tpu.memref_slice %arg4[%run_scoped3A, %select_n3A_20, %dma_wait3A_124, %select_n3A_35, %dma_wait3A_125] : memref<3x2x128x8x128xf32, #tpu.memory_space<hbm>> -> memref<1x1x128x1x128xf32, #tpu.memory_space<hbm>>
        %dma_wait3A_127 = tpu.memref_squeeze %dma_wait3A_126 : memref<1x1x128x1x128xf32, #tpu.memory_space<hbm>> -> memref<128x128xf32, #tpu.memory_space<hbm>>
        %dma_wait3A_128 = arith.constant 0 : i32
        %dma_wait3A_129 = arith.constant 0 : i32
        %dma_wait3A_130 = tpu.memref_slice %arg4[%run_scoped3A, %select_n3A_20, %dma_wait3A_128, %select_n3A_35, %dma_wait3A_129] : memref<3x2x128x8x128xf32, #tpu.memory_space<hbm>> -> memref<1x1x128x1x128xf32, #tpu.memory_space<hbm>>
        %dma_wait3A_131 = tpu.memref_squeeze %dma_wait3A_130 : memref<1x1x128x1x128xf32, #tpu.memory_space<hbm>> -> memref<128x128xf32, #tpu.memory_space<hbm>>
        tpu.wait_dma2 semaphore(%run_scoped3A_115 : memref<!tpu.dma_semaphore, #tpu.memory_space<semaphore_mem>>) src(%arg7 : memref<128x128xf32, #tpu.memory_space<vmem>>) dst(%dma_wait3A_131 : memref<128x128xf32, #tpu.memory_space<hbm>>)
        tpu.yield
      }) : () -> ()
    } else {
    }
    %not3A = arith.constant true
    %not3A_72 = arith.xori %lt3A_1, %not3A : i1
    %convert_element_type3A_73 = arith.extui %not3A_72 : i1 to i32
    %cond3A_74 = arith.constant 0 : i32
    %cond3A_75 = arith.cmpi ne, %convert_element_type3A_73, %cond3A_74 : i32
    scf.if %cond3A_75 {
      %run_scoped3A = arith.constant 1 : i32
      "tpu.region"() ({
        %run_scoped3A_76 = tpu.sem_alloc : memref<!tpu.dma_semaphore, #tpu.memory_space<semaphore_mem>>
        %dma_start3A_77 = arith.constant 0 : i32
        %dma_start3A_78 = arith.constant 0 : i32
        %dma_start3A_79 = tpu.memref_slice %arg4[%run_scoped3A, %select_n3A_20, %dma_start3A_77, %select_n3A_35, %dma_start3A_78] : memref<3x2x128x8x128xf32, #tpu.memory_space<hbm>> -> memref<1x1x128x1x128xf32, #tpu.memory_space<hbm>>
        %dma_start3A_80 = tpu.memref_squeeze %dma_start3A_79 : memref<1x1x128x1x128xf32, #tpu.memory_space<hbm>> -> memref<128x128xf32, #tpu.memory_space<hbm>>
        %dma_start3A_81 = arith.constant 0 : i32
        %dma_start3A_82 = arith.constant 0 : i32
        %dma_start3A_83 = tpu.memref_slice %arg4[%run_scoped3A, %select_n3A_20, %dma_start3A_81, %select_n3A_35, %dma_start3A_82] : memref<3x2x128x8x128xf32, #tpu.memory_space<hbm>> -> memref<1x1x128x1x128xf32, #tpu.memory_space<hbm>>
        %dma_start3A_84 = tpu.memref_squeeze %dma_start3A_83 : memref<1x1x128x1x128xf32, #tpu.memory_space<hbm>> -> memref<128x128xf32, #tpu.memory_space<hbm>>
        tpu.enqueue_dma source(%arg7 : memref<128x128xf32, #tpu.memory_space<vmem>>) target(%dma_start3A_84 : memref<128x128xf32, #tpu.memory_space<hbm>>) target_semaphore(%run_scoped3A_76 : memref<!tpu.dma_semaphore, #tpu.memory_space<semaphore_mem>>)
        %dma_wait3A_85 = arith.constant 0 : i32
        %dma_wait3A_86 = arith.constant 0 : i32
        %dma_wait3A_87 = tpu.memref_slice %arg4[%run_scoped3A, %select_n3A_20, %dma_wait3A_85, %select_n3A_35, %dma_wait3A_86] : memref<3x2x128x8x128xf32, #tpu.memory_space<hbm>> -> memref<1x1x128x1x128xf32, #tpu.memory_space<hbm>>
        %dma_wait3A_88 = tpu.memref_squeeze %dma_wait3A_87 : memref<1x1x128x1x128xf32, #tpu.memory_space<hbm>> -> memref<128x128xf32, #tpu.memory_space<hbm>>
        %dma_wait3A_89 = arith.constant 0 : i32
        %dma_wait3A_90 = arith.constant 0 : i32
        %dma_wait3A_91 = tpu.memref_slice %arg4[%run_scoped3A, %select_n3A_20, %dma_wait3A_89, %select_n3A_35, %dma_wait3A_90] : memref<3x2x128x8x128xf32, #tpu.memory_space<hbm>> -> memref<1x1x128x1x128xf32, #tpu.memory_space<hbm>>
        %dma_wait3A_92 = tpu.memref_squeeze %dma_wait3A_91 : memref<1x1x128x1x128xf32, #tpu.memory_space<hbm>> -> memref<128x128xf32, #tpu.memory_space<hbm>>
        tpu.wait_dma2 semaphore(%run_scoped3A_76 : memref<!tpu.dma_semaphore, #tpu.memory_space<semaphore_mem>>) src(%arg7 : memref<128x128xf32, #tpu.memory_space<vmem>>) dst(%dma_wait3A_92 : memref<128x128xf32, #tpu.memory_space<hbm>>)
        tpu.yield
      }) : () -> ()
    } else {
    }
    return
  }
}

</mosaic_0001>

<sc_bundles>
// kernel: kernel.3.cloned.1.call-start
scs
__scs_entry_jumppad:
0x0: {  	(pc) =	sbr.rel $0x88, $3  }
0x1: {  	(tag) =	ssettag $0x0;
	lr =	simm.s32 $0x1  }
0x2: {  	[smem:$0x3F9F] =	sst lr;
	_ =	strace $0xD0000000  }
0x3: {  	_ = 	snop  }
0x4: {  	_ = 	snop  }
0x5: {  	_ = 	snop  }
0x6: {  	_ = 	snop  }
0x7: {  	_ = 	snop  }
__scs_overlays_trampoline_lowered:
0x8: {  	[smem:$0x3FAE] =	sst s0  }
0x9: {  	[smem:$0x3FAF] =	sst s1  }
0xa: {  	[smem:$0x3FB0] =	sst s2  }
0xb: {  	[smem:$0x3FB1] =	sst s3  }
0xc: {  	[smem:$0x3FB2] =	sst s4  }
0xd: {  	[smem:$0x3FB3] =	sst s5  }
0xe: {  	[smem:$0x3FB4] =	sst s6  }
0xf: {  	[smem:$0x3FB5] =	sst s7  }
0x10: {  	[smem:$0x3FB6] =	sst s8  }
0x11: {  	[smem:$0x3FB7] =	sst s9;
	s0 =	simm.s32 @!p0 $0x0  }
0x12: {  	s1 =	sld [smem:$0x3F9D];
	s0 =	simm.s32 @p0 $0x1  }
0x13: {  	[smem:$0x3FB8] =	sst s0;
	s0 =	simm.s32 @!p1 $0x0  }
0x14: {  	s2 =	sld [smem:$0x3F9C];
	s0 =	simm.s32 @p1 $0x1  }
0x15: {  	[smem:$0x3FB9] =	sst s0;
	s0 =	simm.s32 @!p2 $0x0  }
0x16: {  	s3 =	sld [smem:$0x3FDB];
	s0 =	simm.s32 @p2 $0x1  }
0x17: {  	s4 =	simm.s32 $0x1BF5;
	[smem:$0x3FBB] =	sst s0  }
0x18: {  	s0 =	sld [smem:$0x3F9E];
	_ =	swait.ge [sflag:s4], $0x0  }
0x19: {  	s7 =	sld [smem:$0x3F9F]  }
0x1a: {  	s8 =	sadd.s32 $0xFFFFE003, lr  }
0x1b: {  	s9 =	sadd.s32 $0xFFFFFEF7, lr;
	s5 =	simm.s32 $0xFFFFFFFF;
	p2 =	slt.u32 s8, $0xFFFFF086  }
0x1c: {  	p1 =	slt.u32 s9, $0xF7A;
	s5 =	simm.s32 @!p2 $0x0  }
0x1d: {  	s5 =	simm.s32 @p1 $0x1;
	p0 =	seq.s32 s7, s2  }
0x1e: {  	s7 =	smul.u32 @!p0 $0xF7A, s2;
	p2 =	seq.s32 @!p0 s5, $0x0  }
0x1f: {  	s9 =	smul.u32 $0xF7A, s1;
	s8 =	simm.s32 @!p0 $0x1BF5;
	p2 =	por !p2, p0  }
0x20: {  	[sflag:s8] =	ssyncset.s32 @!p0 $0xFFFFF086;
	s6 =	sadd.s32 @!p0 s3, s7;
	s7 =	simm.s32 @!p0 $0x108  }
0x21: {  	s3 =	sadd.s32 s3, s9;
	s6 =	sadd.s32 @!p0 $0x88, s6;
	s7 =	simm.s32 @p2 $0x1082  }
0x22: {  	[simem:s7], [sflag:s8] =	dma.local @!p0 [hbm:s6], $0xF7A  }
0x23: {  	s9 =	sor.u32 $0xD0000000, s2;
	s6 =	simm.s32 $0x108;
	_ =	swait.ge @!p0 [sflag:s8], $0x0  }
0x24: {  	s3 =	sadd.s32 $0x88, s3;
	s6 =	simm.s32 @!p1 $0x1082;
	[sflag:s4] =	ssyncset.s32 $0xFFFFF086  }
0x25: {  	[simem:s6], [sflag:s4] =	dma.local [hbm:s3], $0xF7A  }
0x26: {  	[smem:$0x3F9F] =	sst s1;
	(tag) =	ssettag s2;
	_ =	strace s9  }
0x27: {  	s1 =	sld [smem:$0x3FAF]  }
0x28: {  	s2 =	sld [smem:$0x3FB0]  }
0x29: {  	s4 =	sld [smem:$0x3FB2]  }
0x2a: {  	p0 =	seq.s32 s5, $0x0;
	s5 =	sld [smem:$0x3FB3]  }
0x2b: {  	s6 =	sld [smem:$0x3FB4]  }
0x2c: {  	s7 =	sld [smem:$0x3FB5]  }
0x2d: {  	s3 =	simm.s32 $0x108;
	s8 =	sld [smem:$0x3FB6]  }
0x2e: {  	s3 =	simm.s32 @!p0 $0x1082;
	s9 =	sld [smem:$0x3FB7]  }
0x2f: {  	lr =	sadd.s32 s0, s3;
	s0 =	sld [smem:$0x3FAE]  }
0x30: {  	s3 =	sld [smem:$0x3FB1]  }
0x31: {  	[smem:$0x3FBA] =	sst s10  }
0x32: {  	s10 =	sld [smem:$0x3FB8];
	_ =	sdelay $0x3  }
0x33: {  	p0 =	seq.s32 s10, $0x1;
	s10 =	sld [smem:$0x3FBA];
	_ =	sdelay $0x3  }
0x34: {  	[smem:$0x3FBA] =	sst s10  }
0x35: {  	s10 =	sld [smem:$0x3FB9];
	_ =	sdelay $0x3  }
0x36: {  	p1 =	seq.s32 s10, $0x1;
	s10 =	sld [smem:$0x3FBA];
	_ =	sdelay $0x3  }
0x37: {  	[smem:$0x3FBA] =	sst s10  }
0x38: {  	s10 =	sld [smem:$0x3FBB]  }
0x39: {  	_ = 	snop;
	(pc) =	sbr.ind lr, $3  }
0x3a: {  	_ = 	snop  }
0x3b: {  	_ = 	snop  }
0x3c: {  	p2 =	seq.s32 s10, $0x1;
	s10 =	sld [smem:$0x3FBA]  }
0x3d: {  	_ =	shalt  }
0x3e: {  	_ =	shalt  }
0x3f: {  	_ =	shalt  }
0x40: {  	_ =	shalt  }
0x41: {  	_ =	shalt  }
0x42: {  	_ =	shalt  }
0x43: {  	_ =	shalt  }
0x44: {  	_ =	shalt  }
0x45: {  	_ =	shalt  }
0x46: {  	_ =	shalt  }
0x47: {  	_ =	shalt  }
0x48: {  	_ =	shalt  }
0x49: {  	_ =	shalt  }
0x4a: {  	_ =	shalt  }
0x4b: {  	_ =	shalt  }
0x4c: {  	_ =	shalt  }
0x4d: {  	_ =	shalt  }
0x4e: {  	_ =	shalt  }
0x4f: {  	_ =	shalt  }
0x50: {  	_ =	shalt  }
0x51: {  	_ =	shalt  }
0x52: {  	_ =	shalt  }
0x53: {  	_ =	shalt  }
0x54: {  	_ =	shalt  }
0x55: {  	_ =	shalt  }
0x56: {  	_ =	shalt  }
0x57: {  	_ =	shalt  }
0x58: {  	_ =	shalt  }
0x59: {  	_ =	shalt  }
0x5a: {  	_ =	shalt  }
0x5b: {  	_ =	shalt  }
0x5c: {  	_ =	shalt  }
0x5d: {  	_ =	shalt  }
0x5e: {  	_ =	shalt  }
0x5f: {  	_ =	shalt  }
0x60: {  	_ =	shalt  }
0x61: {  	_ =	shalt  }
0x62: {  	_ =	shalt  }
0x63: {  	_ =	shalt  }
0x64: {  	_ =	shalt  }
0x65: {  	_ =	shalt  }
0x66: {  	_ =	shalt  }
0x67: {  	_ =	shalt  }
0x68: {  	_ =	shalt  }
0x69: {  	_ =	shalt  }
0x6a: {  	_ =	shalt  }
0x6b: {  	_ =	shalt  }
0x6c: {  	_ =	shalt  }
0x6d: {  	_ =	shalt  }
0x6e: {  	_ =	shalt  }
0x6f: {  	_ =	shalt  }
0x70: {  	_ =	shalt  }
0x71: {  	_ =	shalt  }
0x72: {  	_ =	shalt  }
0x73: {  	_ =	shalt  }
0x74: {  	_ =	shalt  }
0x75: {  	_ =	shalt  }
0x76: {  	_ =	shalt  }
0x77: {  	_ =	shalt  }
0x78: {  	_ =	shalt  }
0x79: {  	_ =	shalt  }
0x7a: {  	_ =	shalt  }
0x7b: {  	_ =	shalt  }
0x7c: {  	_ =	shalt  }
0x7d: {  	_ =	shalt  }
0x7e: {  	_ =	shalt  }
0x7f: {  	_ =	shalt  }
0x80: {  	_ =	shalt  }
0x81: {  	_ =	shalt  }
0x82: {  	_ =	shalt  }
0x83: {  	_ =	shalt  }
0x84: {  	_ =	shalt  }
0x85: {  	_ =	shalt  }
0x86: {  	_ =	shalt  }
0x87: {  	_ =	shalt  }
.Lfunc_end0:
.L_simem_size_0:
called_computation_lowered:
.L_overlay_start_0:
0x88: {  	s2 =	sld [smem:$0x3FD9]  }
0x89: {  	s3 =	sld [smem:$0x3FFE];
	_ =	sdelay $0x1  }
0x8a: {  	s1 =	srdreg.scid  }
0x8b: {  	s0 =	sand.u32 $0x1, s1  }
0x8c: {  	s18 =	sshll.u32 s0, $0xA;
	s2 =	sadd.s32 s3, s2  }
0x8d: {  	s2 =	sadd.s32 s2, s18  }
0x8e: {  	[smem:$0x3FC6] =	sst s2  }
0x8f: {  	_ = 	snop  }
0x90: {  	s2 =	sld [smem:$0x3FC9]  }
0x91: {  	s19 =	sld [smem:$0x3FC8]  }
0x92: {  	s4 =	sld [smem:$0x3FD0];
	(tm) =	ssettm $0x1  }
0x93: {  	s5 =	sld [smem:$0x3FFB];
	_ =	sdelay $0x3  }
0x94: {  	_ =	strace s5  }
0x95: {  	s5 =	sld [smem:$0x3FFC];
	_ =	sdelay $0x3  }
0x96: {  	_ =	strace s5  }
0x97: {  	s5 =	sld [smem:$0x3FFD];
	_ =	sdelay $0x3  }
0x98: {  	_ =	strace s5  }
0x99: {  	_ =	strace $0x8FFFFFFF  }
0x9a: {  	s20 =	sld [smem:$0x3FDB];
	_ =	sdelay $0x1  }
0x9b: {  	s6 =	simm.s32 $_scs_section_size  }
0x9c: {  	s7 =	simm.s32 $_size__tile_overlayer_lowered;
	s8 =	simm.s32 $_tile_overlayer_lowered  }
0x9d: {  	s23 =	simm.s32 $0x1BFF;
	s22 =	sshll.u32 s8, $0x1;
	s5 =	sadd.s32 s6, s20  }
0x9e: {  	s9 =	simm.s32 $0x0;
	s21 =	sshll.u32 s7, $0x1;
	s7 =	sadd.s32 s22, s5  }
0x9f: {  	[timem:s9], [sflag:s23] =	dma.local [hbm:s7], s21  }
0xa0: {  	_ =	swait.ge [sflag:s23], s21  }
0xa1: {  	s6 =	ssub.s32 $0x0, s21;
	[sflag:s23] =	ssyncset.done $0x0  }
0xa2: {  	[sflag:s23] =	ssyncadd.s32 s6;
	_ =	sdelay $0x1  }
0xa3: {  	s24 =	simm.s32 $0x1B8B  }
0xa4: {  	_ =	swait.ge [sflag:s24], $0x1  }
0xa5: {  	[sflag:s24] =	ssyncset.done $0x0  }
0xa6: {  	s25 =	simm.s32 $0x1B8E;
	[sflag:s24] =	ssyncadd.s32 $0xFFFFFFFF  }
0xa7: {  	s26 =	simm.s32 $execute0_lowered;
	[smem:$0x3FD2] =	sst s25  }
0xa8: {  	s6 =	sshll.u32 s26, $0x1;
	_ =	strace $0x80000046;
	[dreg:$0x1] =	wrdreg $0xFFFFFFFF  }
0xa9: {  	s28 =	simm.s32 $_size_execute0_lowered;
	s5 =	sadd.s32 s5, s6;
	[dreg:$0x0] =	wrdreg $0x0  }
0xaa: {  	s6 =	sshll.u32 s28, $0x1;
	[dreg:$0x2] =	wrdreg s5  }
0xab: {  	[dreg:$0x3] =	wrdreg s6  }
0xac: {  	[dreg:$0x4] =	wrdreg $0xC0  }
0xad: {  	_ =	task [dreg:s9], $0x5FFFF  }
0xae: {  	[dreg:$0x1] =	wrdreg $0xFFFFFFFF  }
0xaf: {  	[dreg:$0x0] =	wrdreg $0x60  }
0xb0: {  	[dreg:$0x2] =	wrdreg s2  }
0xb1: {  	[dreg:$0x3] =	wrdreg s19  }
0xb2: {  	[dreg:$0x4] =	wrdreg s4  }
0xb3: {  	[dreg:$0x5] =	wrdreg $0x9  }
0xb4: {  	_ =	task.clear_ibuf [dreg:s9], $0x6FFFF;
	_ =	strace $0x90000046  }
0xb5: {  	s29 =	simm.s32 $0x9;
	_ =	strace $0x80000048  }
0xb6: {  	_ =	swait.ge [sflag:s29], $0x1  }
0xb7: {  	[sflag:s29] =	ssyncadd.s32 $0xFFFFFFFF  }
0xb8: {  	_ =	strace $0x90000048  }
0xb9: {  	_ =	sfence  }
0xba: {  	s30 =	sld [smem:$0x0];
	_ =	sdelay $0x2  }
0xbb: {  	s31 =	sshll.u32 s1, $0xD;
	s1 =	sshrl.u32 s1, $0x2  }
0xbc: {  	s3 =	sand.u32 $0x4000, s31;
	s1 =	sadd.s32 s1, s30  }
0xbd: {  	s0 =	sor.u32 s3, s0;
	s1 =	sshll.u32 s1, $0x11  }
0xbe: {  	s0 =	sor.u32 s1, s0  }
0xbf: {  	s0 =	sadd.s32 $0x8F2B, s0  }
0xc0: {  	[sflag:s0] =	ssyncadd.remote.s32 $0x1  }
0xc1: {  	_ =	sfence.sel $0xFFFF  }
0xc2: {  	[dreg:$0x0] =	wrdreg $0xFFFFFFFF;
	(pc) =	sbr.abs _section_cstart, $3  }
0xc3: {  	[dreg:$0x1] =	wrdreg $0xFFFFFFFF  }
0xc4: {  	_ =	task.clear_ibuf [dreg:s9], $0x2FFFF;
	_ =	strace $0x9FFFFFFF  }
0xc5: {  	(tm) =	ssettm $0x7FFFFFFF  }
tec
execute0_lowered:
.L_overlay_start_1:
0x0: {  	(tag) =	ssettag $0x1  }
0x1: {  	s1 =	srdreg.scid;
	s0 =	stileid.u32  }
0x2: {  	s4 =	sand.u32 $0x1, s1;
	s23 =	sshll.u32 s0, $0x1  }
0x3: {  	s1 =	sor.u32 s4, s23  }
0x4: {  	s9 =	rddreg [dreg:$0x0];
	p0 =	slt.u32 s0, $0x8;
	s5 =	sadd.s32 $0xFFFFFFF0, s1  }
0x5: {  	s7 =	rddreg [dreg:$0x1];
	s5 =	smov.u32 @p0 s1  }
0x6: {  	s2 =	rddreg [dreg:$0x2];
	s3 =	simm.s32 $0x0;
	s1 =	sshrl.u32 s5, $0xC  }
0x7: {  	s14 =	simm.s32 $0x10000;
	s15 =	simm.s32 $0x2;
	s1 =	sand.u32 $0x7, s1  }
0x8: {  	s16 =	simm.s32 $0x14000;
	s17 =	simm.s32 $0x3;
	s6 =	sadd.s32 s1, s5  }
0x9: {  	s18 =	simm.s32 $0x4;
	s4 =	ssub.s32 $0x2, s4;
	s1 =	sand.u32 $0xFFFFFFF8, s6  }
0xa: {  	s19 =	simm.s32 $0x0;
	s24 =	sshrl.u32 s4, $0x1;
	s8 =	ssub.s32 s5, s1  }
0xb: {  	[smem:$0x7FF] =	sst s3;
	s11 =	ssub.s32 s4, s24;
	s10 =	sand.u32 $0xFF, s8  }
0xc: {  	s4 =	simm.s32 $0x1;
	p0 =	slt.s32 s5, $0x1;
	p1 =	sne.s32 s10, $0x0  }
0xd: {  	s11 =	smax.u32 s11, $0x1;
	s6 =	sshra.s32 s6, $0x3;
	p0 =	por !p0, !p1  }
0xe: {  	s1 =	rddreg [dreg:$0x3];
	s5 =	simm.s32 $0x1;
	p0 =	por !p0, !p0  }
0xf: {  	s26 =	sshll.u32 s8, $0x7;
	s8 =	simm.s32 $0x100000;
	s5 =	simm.s32 @!p0 $0x0  }
0x10: {  	p0 =	sgt.u32 s0, $0x7;
	s25 =	ssub.s32 s6, s5;
	s6 =	sand.u32 $0x380, s26  }
0x11: {  	s8 =	simm.s32 @!p0 $0x7;
	s5 =	sshll.u32 s25, $0x11;
	s28 =	sshll.u32 s25, $0x13  }
0x12: {  	_ =	strace $0x80000047;
	s12 =	sor.u32 s6, s5;
	s29 =	sadd.s32 s8, s28  }
.Ltmp0:
0x13: {  	s30 =	sshrl.u32 s12, $0x3;
	s13 =	sor.u32 s6, s29;
	(pc) =	sbr.rel .LBB2_1-.Ltmp0, $4  }
0x14: {  	s6 =	sor.u32 s6, s28;
	s5 =	sadd.s32 s7, s30;
	s31 =	sshrl.u32 s13, $0x3  }
0x15: {  	s10 =	sadd.s32 $0x200000, s6;
	s7 =	sadd.s32 $0x40000, s12;
	s8 =	sadd.s32 s2, s30  }
0x16: {  	s13 =	simm.s32 $0x400;
	s6 =	sadd.s32 s9, s31;
	s10 =	sshrl.u32 s10, $0x3  }
0x17: {  	s9 =	sadd.s32 s9, s10;
	s10 =	sadd.s32 $0x80000, s12;
	s12 =	simm.s32 $0x80  }
.LBB2_6:
0x18: {  	[tilespmem:s20+$0x10] =	vst v0  }
0x19: {  	[tilespmem:s20+$0x20] =	vst v1  }
0x1a: {  	[tilespmem:s20+$0x30] =	vst v2  }
0x1b: {  	[tilespmem:s20+$0x40] =	vst v3  }
0x1c: {  	[tilespmem:s20+$0x50] =	vst v4  }
0x1d: {  	[tilespmem:s20+$0x60] =	vst v5;
	s20 =	smov.u32 s10  }
.LBB2_7:
0x1e: {  	s19 =	sadd.s32 $0x1, s19  }
0x1f: {  	s20 =	sshrl.u32 s20, $0x3;
	p1 =	sne.s32 s19, s11  }
.Ltmp1:
0x20: {  	s20 =	sadd.s32 s2, s20;
	(pc) =	sbr.rel @!p1 .LBB2_8-.Ltmp1, $4  }
0x21: {  	[hbm4b:s20+s12] =	stream.strided.scatter [tilespmem:s16], [sflag:$0x4], $0x4000, s13, s12, $0x38;
	[tilespmem:$0x18000] =	vst v63  }
0x22: {  	_ =	swait.ge [sflag:s18], $0x4000  }
0x23: {  	[sflag:s18] =	ssyncset.done $0x0  }
0x24: {  	[sflag:s18] =	ssyncadd.s32 $0xFFFFC000  }
.LBB2_1:
0x25: {  	[tilespmem:s14], [sflag:$0x1] =	stream.strided.gather [hbm4b:s5+s12], $0x4000, s13, s12, $0x38;
	[tilespmem:$0x18000] =	vst v63  }
0x26: {  	_ = 	snop  }
0x27: {  	[tilespmem:s3], [sflag:$0x2] =	stream.strided.gather [hbm4b:s6+s12], $0x10000, s13, s12, $0x38;
	[tilespmem:$0x18000] =	vst v63  }
0x28: {  	_ =	swait.ge [sflag:s4], $0x4000  }
0x29: {  	[sflag:s4] =	ssyncset.done $0x0  }
0x2a: {  	[sflag:s4] =	ssyncadd.s32 $0xFFFFC000  }
0x2b: {  	_ =	swait.ge [sflag:s15], $0x10000  }
0x2c: {  	[sflag:s15] =	ssyncset.done $0x0  }
0x2d: {  	s20 =	simm.s32 $0x10080;
	[sflag:s15] =	ssyncadd.s32 $0xFFFF0000  }
0x2e: {  	v0 =	vld [tilespmem:s20+$0x70]  }
0x2f: {  	v1 =	vld [tilespmem:s20+$0xFFFFFF90]  }
0x30: {  	v2 =	vld [tilespmem:s20+$0xFFFFFFA0]  }
0x31: {  	v3 =	vld [tilespmem:s20+$0xFFFFFFB0]  }
0x32: {  	v4 =	vld [tilespmem:s20+$0xFFFFFFC0]  }
0x33: {  	v5 =	vld [tilespmem:s20+$0xFFFFFFD0]  }
0x34: {  	v6 =	vld [tilespmem:s20+$0xFFFFFFE0]  }
0x35: {  	v7 =	vld [tilespmem:s20+$0xFFFFFFF0]  }
0x36: {  	v8 =	vld [tilespmem:s20+$0x0]  }
0x37: {  	v9 =	vld [tilespmem:s20+$0x10]  }
0x38: {  	v10 =	vld [tilespmem:s20+$0x20]  }
0x39: {  	v11 =	vld [tilespmem:s20+$0x30]  }
0x3a: {  	v12 =	vld [tilespmem:s20+$0x40]  }
0x3b: {  	v13 =	vld [tilespmem:s20+$0x50]  }
0x3c: {  	v14 =	vld [tilespmem:s20+$0x60]  }
0x3d: {  	v15 =	vld [tilespmem:s20+$0xFFFFFF80]  }
0x3e: {  	v0 =	vld.idx.msk [tilespmem:v0+s3+$0x0], $0xffff  }
0x3f: {  	v1 =	vld.idx.msk [tilespmem:v1+s3+$0x0], $0xffff  }
0x40: {  	v2 =	vld.idx.msk [tilespmem:v2+s3+$0x0], $0xffff  }
0x41: {  	v3 =	vld.idx.msk [tilespmem:v3+s3+$0x0], $0xffff  }
0x42: {  	v4 =	vld.idx.msk [tilespmem:v4+s3+$0x0], $0xffff  }
0x43: {  	s20 =	simm.s32 $0x14080;
	v5 =	vld.idx.msk [tilespmem:v5+s3+$0x0], $0xffff  }
0x44: {  	v6 =	vld.idx.msk [tilespmem:v6+s3+$0x0], $0xffff;
	[tilespmem:s20+$0x70] =	vst v0  }
0x45: {  	v7 =	vld.idx.msk [tilespmem:v7+s3+$0x0], $0xffff;
	[tilespmem:s20+$0xFFFFFF90] =	vst v1  }
0x46: {  	v15 =	vld.idx.msk [tilespmem:v15+s3+$0x0], $0xffff;
	[tilespmem:s20+$0xFFFFFFA0] =	vst v2  }
0x47: {  	v8 =	vld.idx.msk [tilespmem:v8+s3+$0x0], $0xffff;
	[tilespmem:s20+$0xFFFFFFB0] =	vst v3  }
0x48: {  	[tilespmem:s20+$0xFFFFFFC0] =	vst v4;
	v0 =	vld.idx.msk [tilespmem:v9+s3+$0x0], $0xffff  }
0x49: {  	[tilespmem:s20+$0xFFFFFFD0] =	vst v5;
	v1 =	vld.idx.msk [tilespmem:v10+s3+$0x0], $0xffff  }
0x4a: {  	[tilespmem:s20+$0xFFFFFFE0] =	vst v6;
	v2 =	vld.idx.msk [tilespmem:v11+s3+$0x0], $0xffff  }
0x4b: {  	[tilespmem:s20+$0xFFFFFFF0] =	vst v7;
	v3 =	vld.idx.msk [tilespmem:v12+s3+$0x0], $0xffff  }
0x4c: {  	[tilespmem:s20+$0xFFFFFF80] =	vst v15;
	v4 =	vld.idx.msk [tilespmem:v13+s3+$0x0], $0xffff  }
0x4d: {  	s21 =	simm.s32 $0x0;
	s22 =	simm.s32 $0x10180;
	[tilespmem:s20+$0x0] =	vst v8;
	v5 =	vld.idx.msk [tilespmem:v14+s3+$0x0], $0xffff  }
.LBB2_2:
0x4e: {  	v6 =	vld [tilespmem:s22+$0x70];
	s21 =	sadd.s32 $0x10, s21;
	[tilespmem:s20+$0x10] =	vst v0  }
0x4f: {  	v0 =	vld [tilespmem:s22+$0xFFFFFF90];
	p1 =	slt.u32 s21, $0x3F0;
	[tilespmem:s20+$0x20] =	vst v1  }
0x50: {  	v1 =	vld [tilespmem:s22+$0xFFFFFFA0];
	[tilespmem:s20+$0x30] =	vst v2  }
0x51: {  	v2 =	vld [tilespmem:s22+$0xFFFFFFB0];
	[tilespmem:s20+$0x40] =	vst v3  }
0x52: {  	v3 =	vld [tilespmem:s22+$0xFFFFFFC0];
	[tilespmem:s20+$0x50] =	vst v4  }
0x53: {  	v4 =	vld [tilespmem:s22+$0xFFFFFFD0];
	[tilespmem:s20+$0x60] =	vst v5  }
0x54: {  	v5 =	vld [tilespmem:s22+$0xFFFFFFE0]  }
0x55: {  	v7 =	vld [tilespmem:s22+$0xFFFFFFF0]  }
0x56: {  	v6 =	vld.idx.msk [tilespmem:v6+s3+$0x0], $0xffff  }
0x57: {  	v8 =	vld [tilespmem:s22+$0x0]  }
0x58: {  	v9 =	vld [tilespmem:s22+$0x10]  }
0x59: {  	v10 =	vld [tilespmem:s22+$0x20]  }
0x5a: {  	v11 =	vld [tilespmem:s22+$0x30]  }
0x5b: {  	s20 =	sadd.s32 $0x100, s20;
	v12 =	vld [tilespmem:s22+$0x40]  }
0x5c: {  	v13 =	vld [tilespmem:s22+$0x50];
	[tilespmem:s20+$0x70] =	vst v6  }
0x5d: {  	v6 =	vld [tilespmem:s22+$0x60]  }
0x5e: {  	v14 =	vld [tilespmem:s22+$0xFFFFFF80]  }
0x5f: {  	v0 =	vld.idx.msk [tilespmem:v0+s3+$0x0], $0xffff  }
0x60: {  	v1 =	vld.idx.msk [tilespmem:v1+s3+$0x0], $0xffff  }
0x61: {  	v2 =	vld.idx.msk [tilespmem:v2+s3+$0x0], $0xffff  }
0x62: {  	v3 =	vld.idx.msk [tilespmem:v3+s3+$0x0], $0xffff  }
0x63: {  	v4 =	vld.idx.msk [tilespmem:v4+s3+$0x0], $0xffff  }
0x64: {  	v5 =	vld.idx.msk [tilespmem:v5+s3+$0x0], $0xffff  }
0x65: {  	[tilespmem:s20+$0xFFFFFF90] =	vst v0;
	v7 =	vld.idx.msk [tilespmem:v7+s3+$0x0], $0xffff  }
0x66: {  	v14 =	vld.idx.msk [tilespmem:v14+s3+$0x0], $0xffff;
	[tilespmem:s20+$0xFFFFFFA0] =	vst v1  }
0x67: {  	[tilespmem:s20+$0xFFFFFFB0] =	vst v2;
	v8 =	vld.idx.msk [tilespmem:v8+s3+$0x0], $0xffff  }
0x68: {  	[tilespmem:s20+$0xFFFFFFC0] =	vst v3;
	v0 =	vld.idx.msk [tilespmem:v9+s3+$0x0], $0xffff  }
.Ltmp2:
0x69: {  	[tilespmem:s20+$0xFFFFFFD0] =	vst v4;
	v1 =	vld.idx.msk [tilespmem:v10+s3+$0x0], $0xffff;
	(pc) =	sbr.rel @p1 .LBB2_2-.Ltmp2, $4  }
0x6a: {  	[tilespmem:s20+$0xFFFFFFE0] =	vst v5;
	v2 =	vld.idx.msk [tilespmem:v11+s3+$0x0], $0xffff  }
0x6b: {  	[tilespmem:s20+$0xFFFFFFF0] =	vst v7;
	v3 =	vld.idx.msk [tilespmem:v12+s3+$0x0], $0xffff  }
0x6c: {  	[tilespmem:s20+$0xFFFFFF80] =	vst v14;
	v4 =	vld.idx.msk [tilespmem:v13+s3+$0x0], $0xffff  }
0x6d: {  	s22 =	sadd.s32 $0x100, s22;
	[tilespmem:s20+$0x0] =	vst v8;
	v5 =	vld.idx.msk [tilespmem:v6+s3+$0x0], $0xffff  }
0x6e: {  	[tilespmem:s20+$0x10] =	vst v0  }
.Ltmp3:
0x6f: {  	[tilespmem:s20+$0x20] =	vst v1;
	(pc) =	sbr.rel @p0 .LBB2_7-.Ltmp3, $4  }
0x70: {  	[tilespmem:s20+$0x30] =	vst v2  }
0x71: {  	[tilespmem:s20+$0x40] =	vst v3  }
0x72: {  	[tilespmem:s20+$0x50] =	vst v4  }
0x73: {  	[tilespmem:s20+$0x60] =	vst v5;
	s20 =	smov.u32 s7  }
0x74: {  	[hbm4b:s8+s12] =	stream.strided.scatter [tilespmem:s16], [sflag:$0x3], $0x4000, s13, s12, $0x38;
	[tilespmem:$0x18000] =	vst v63  }
0x75: {  	_ = 	snop  }
0x76: {  	[tilespmem:s3], [sflag:$0x2] =	stream.strided.gather [hbm4b:s9+s12], $0x10000, s13, s12, $0x38;
	[tilespmem:$0x18000] =	vst v63  }
0x77: {  	_ =	swait.ge [sflag:s17], $0x4000  }
0x78: {  	[sflag:s17] =	ssyncset.done $0x0  }
0x79: {  	[sflag:s17] =	ssyncadd.s32 $0xFFFFC000  }
0x7a: {  	_ =	swait.ge [sflag:s15], $0x10000  }
0x7b: {  	[sflag:s15] =	ssyncset.done $0x0  }
0x7c: {  	s20 =	simm.s32 $0x10080;
	[sflag:s15] =	ssyncadd.s32 $0xFFFF0000  }
0x7d: {  	v0 =	vld [tilespmem:s20+$0x70]  }
0x7e: {  	v1 =	vld [tilespmem:s20+$0xFFFFFF90]  }
0x7f: {  	v2 =	vld [tilespmem:s20+$0xFFFFFFA0]  }
0x80: {  	v3 =	vld [tilespmem:s20+$0xFFFFFFB0]  }
0x81: {  	v4 =	vld [tilespmem:s20+$0xFFFFFFC0]  }
0x82: {  	v5 =	vld [tilespmem:s20+$0xFFFFFFD0]  }
0x83: {  	v6 =	vld [tilespmem:s20+$0xFFFFFFE0]  }
0x84: {  	v7 =	vld [tilespmem:s20+$0xFFFFFFF0]  }
0x85: {  	v8 =	vld [tilespmem:s20+$0x0]  }
0x86: {  	v9 =	vld [tilespmem:s20+$0x10]  }
0x87: {  	v10 =	vld [tilespmem:s20+$0x20]  }
0x88: {  	v11 =	vld [tilespmem:s20+$0x30]  }
0x89: {  	v12 =	vld [tilespmem:s20+$0x40]  }
0x8a: {  	v13 =	vld [tilespmem:s20+$0x50]  }
0x8b: {  	v14 =	vld [tilespmem:s20+$0x60]  }
0x8c: {  	v15 =	vld [tilespmem:s20+$0xFFFFFF80]  }
0x8d: {  	v0 =	vld.idx.msk [tilespmem:v0+s3+$0x0], $0xffff  }
0x8e: {  	v1 =	vld.idx.msk [tilespmem:v1+s3+$0x0], $0xffff  }
0x8f: {  	v2 =	vld.idx.msk [tilespmem:v2+s3+$0x0], $0xffff  }
0x90: {  	v3 =	vld.idx.msk [tilespmem:v3+s3+$0x0], $0xffff  }
0x91: {  	v4 =	vld.idx.msk [tilespmem:v4+s3+$0x0], $0xffff  }
0x92: {  	s20 =	simm.s32 $0x14080;
	v5 =	vld.idx.msk [tilespmem:v5+s3+$0x0], $0xffff  }
0x93: {  	v6 =	vld.idx.msk [tilespmem:v6+s3+$0x0], $0xffff;
	[tilespmem:s20+$0x70] =	vst v0  }
0x94: {  	v7 =	vld.idx.msk [tilespmem:v7+s3+$0x0], $0xffff;
	[tilespmem:s20+$0xFFFFFF90] =	vst v1  }
0x95: {  	v15 =	vld.idx.msk [tilespmem:v15+s3+$0x0], $0xffff;
	[tilespmem:s20+$0xFFFFFFA0] =	vst v2  }
0x96: {  	v8 =	vld.idx.msk [tilespmem:v8+s3+$0x0], $0xffff;
	[tilespmem:s20+$0xFFFFFFB0] =	vst v3  }
0x97: {  	[tilespmem:s20+$0xFFFFFFC0] =	vst v4;
	v0 =	vld.idx.msk [tilespmem:v9+s3+$0x0], $0xffff  }
0x98: {  	[tilespmem:s20+$0xFFFFFFD0] =	vst v5;
	v1 =	vld.idx.msk [tilespmem:v10+s3+$0x0], $0xffff  }
0x99: {  	[tilespmem:s20+$0xFFFFFFE0] =	vst v6;
	v2 =	vld.idx.msk [tilespmem:v11+s3+$0x0], $0xffff  }
0x9a: {  	[tilespmem:s20+$0xFFFFFFF0] =	vst v7;
	v3 =	vld.idx.msk [tilespmem:v12+s3+$0x0], $0xffff  }
0x9b: {  	[tilespmem:s20+$0xFFFFFF80] =	vst v15;
	v4 =	vld.idx.msk [tilespmem:v13+s3+$0x0], $0xffff  }
0x9c: {  	s21 =	simm.s32 $0x0;
	s22 =	simm.s32 $0x10180;
	[tilespmem:s20+$0x0] =	vst v8;
	v5 =	vld.idx.msk [tilespmem:v14+s3+$0x0], $0xffff  }
.LBB2_5:
0x9d: {  	v6 =	vld [tilespmem:s22+$0x70];
	s21 =	sadd.s32 $0x10, s21;
	[tilespmem:s20+$0x10] =	vst v0  }
0x9e: {  	v0 =	vld [tilespmem:s22+$0xFFFFFF90];
	p1 =	slt.u32 s21, $0x3F0;
	[tilespmem:s20+$0x20] =	vst v1  }
0x9f: {  	v1 =	vld [tilespmem:s22+$0xFFFFFFA0];
	[tilespmem:s20+$0x30] =	vst v2  }
0xa0: {  	v2 =	vld [tilespmem:s22+$0xFFFFFFB0];
	[tilespmem:s20+$0x40] =	vst v3  }
0xa1: {  	v3 =	vld [tilespmem:s22+$0xFFFFFFC0];
	[tilespmem:s20+$0x50] =	vst v4  }
0xa2: {  	v4 =	vld [tilespmem:s22+$0xFFFFFFD0];
	[tilespmem:s20+$0x60] =	vst v5  }
0xa3: {  	v5 =	vld [tilespmem:s22+$0xFFFFFFE0]  }
0xa4: {  	v7 =	vld [tilespmem:s22+$0xFFFFFFF0]  }
0xa5: {  	v6 =	vld.idx.msk [tilespmem:v6+s3+$0x0], $0xffff  }
0xa6: {  	v8 =	vld [tilespmem:s22+$0x0]  }
0xa7: {  	v9 =	vld [tilespmem:s22+$0x10]  }
0xa8: {  	v10 =	vld [tilespmem:s22+$0x20]  }
0xa9: {  	v11 =	vld [tilespmem:s22+$0x30]  }
0xaa: {  	s20 =	sadd.s32 $0x100, s20;
	v12 =	vld [tilespmem:s22+$0x40]  }
0xab: {  	v13 =	vld [tilespmem:s22+$0x50];
	[tilespmem:s20+$0x70] =	vst v6  }
0xac: {  	v6 =	vld [tilespmem:s22+$0x60]  }
0xad: {  	v14 =	vld [tilespmem:s22+$0xFFFFFF80]  }
0xae: {  	v0 =	vld.idx.msk [tilespmem:v0+s3+$0x0], $0xffff  }
0xaf: {  	v1 =	vld.idx.msk [tilespmem:v1+s3+$0x0], $0xffff  }
0xb0: {  	v2 =	vld.idx.msk [tilespmem:v2+s3+$0x0], $0xffff  }
0xb1: {  	v3 =	vld.idx.msk [tilespmem:v3+s3+$0x0], $0xffff  }
0xb2: {  	v4 =	vld.idx.msk [tilespmem:v4+s3+$0x0], $0xffff  }
0xb3: {  	v5 =	vld.idx.msk [tilespmem:v5+s3+$0x0], $0xffff  }
0xb4: {  	[tilespmem:s20+$0xFFFFFF90] =	vst v0;
	v7 =	vld.idx.msk [tilespmem:v7+s3+$0x0], $0xffff  }
0xb5: {  	v14 =	vld.idx.msk [tilespmem:v14+s3+$0x0], $0xffff;
	[tilespmem:s20+$0xFFFFFFA0] =	vst v1  }
0xb6: {  	[tilespmem:s20+$0xFFFFFFB0] =	vst v2;
	v8 =	vld.idx.msk [tilespmem:v8+s3+$0x0], $0xffff  }
0xb7: {  	[tilespmem:s20+$0xFFFFFFC0] =	vst v3;
	v0 =	vld.idx.msk [tilespmem:v9+s3+$0x0], $0xffff  }
.Ltmp4:
0xb8: {  	[tilespmem:s20+$0xFFFFFFD0] =	vst v4;
	v1 =	vld.idx.msk [tilespmem:v10+s3+$0x0], $0xffff;
	(pc) =	sbr.rel @p1 .LBB2_5-.Ltmp4, $4  }
0xb9: {  	[tilespmem:s20+$0xFFFFFFE0] =	vst v5;
	v2 =	vld.idx.msk [tilespmem:v11+s3+$0x0], $0xffff  }
0xba: {  	[tilespmem:s20+$0xFFFFFFF0] =	vst v7;
	v3 =	vld.idx.msk [tilespmem:v12+s3+$0x0], $0xffff  }
0xbb: {  	[tilespmem:s20+$0xFFFFFF80] =	vst v14;
	v4 =	vld.idx.msk [tilespmem:v13+s3+$0x0], $0xffff  }
0xbc: {  	s22 =	sadd.s32 $0x100, s22;
	[tilespmem:s20+$0x0] =	vst v8;
	v5 =	vld.idx.msk [tilespmem:v6+s3+$0x0], $0xffff  }
.Ltmp5:
0xbd: {  	_ = 	snop;
	(pc) =	sbr.rel .LBB2_6-.Ltmp5, $1  }
0xbe: {  	_ =	sdelay $0x3  }
.LBB2_8:
0xbf: {  	_ =	sfence.sel $0x180000  }
0xc0: {  	[bflag:$0x0] =	sbarrier.arrive $0xFFFF  }
0xc1: {  	p0 =	sne.s32 s0, $0x0;
	_ =	strace $0x90000047  }
0xc2: {  	s0 =	sadd.s32 @!p0 $0x100000, s1;
	[bflag:$0x2] =	sbarrier.arrive $0xFFFF  }
0xc3: {  	[sflag:s0] =	ssyncadd.tile.s32 @!p0 $0x1;
	_ =	shalt  }
.Lfunc_end2:
_tile_overlayer_lowered:
.L_overlay_start_2:
0xc4: {  	(tag) =	ssettag $0x2  }
0xc5: {  	s0 =	rddreg [dreg:$0x0];
	s2 =	stileid.u32  }
0xc6: {  	s1 =	rddreg [dreg:$0x1];
	p0 =	sne.s32 s2, $0x0  }
0xc7: {  	s3 =	rddreg [dreg:$0x2];
	[bflag:$0x3] =	sbarrier.arrive $0xFFFF;
	s2 =	simm.s32 @!p0 $0x1C04  }
0xc8: {  	[timem:s3], [sflag:s2] =	dma.local @!p0 [hbm:s0], s1  }
0xc9: {  	s0 =	simm.s32 @!p0 $0x4  }
0xca: {  	_ =	swait.ge @!p0 [sflag:s0], s1  }
0xcb: {  	s1 =	ssub.s32 @!p0 $0x0, s1;
	[sflag:s0] =	ssyncset.done @!p0 $0x0  }
0xcc: {  	[sflag:s0] =	ssyncadd.s32 @!p0 s1  }
0xcd: {  	[bflag:$0x3] =	sbarrier.arrive $0xFFFF  }
0xce: {  	_ =	shalt  }

</sc_bundles>
